<compile_context>
chip_gen: v7x
topology: tpu7x:2x2x1
jax: 0.10.2.dev20260603
libtpu: 0.0.44.dev20260713+nightly
codegen_flags: <defaults>
</compile_context>

<pallas_src>
import functools

import jax
import jax.numpy as jnp
from jax import lax
from jax.experimental import pallas as pl
from jax.experimental.pallas import tpu as pltpu
from jax.experimental.pallas import tpu_sc as plsc

NUM_EMB = 8192
DIM = 64
ROWS = 16384
ROW_TILE = 1024
N_ROW_TILES = ROWS // ROW_TILE
_DOT_PRECISION = lax.Precision.DEFAULT


def _tc_body(x_ref, emb_ref, idx_ref):
    x = x_ref[...]
    normsq = jnp.sum(x * x, axis=1, keepdims=True)
    norm = jnp.sqrt(normsq)
    xn = x / jnp.maximum(norm, 1e-12)

    d = lax.dot_general(
        xn, emb_ref[...], (((1,), (1,)), ((), ())),
        preferred_element_type=jnp.float32,
        precision=_DOT_PRECISION,
    )
    best_idx = jnp.argmax(d, axis=1).astype(jnp.int32)
    idx_ref[0, 0, :] = best_idx


_tc_call = pl.pallas_call(
    _tc_body,
    grid=(N_ROW_TILES,),
    in_specs=[
        pl.BlockSpec((ROW_TILE, DIM), lambda i: (i, 0)),
        pl.BlockSpec((NUM_EMB, DIM), lambda i: (0, 0)),
    ],
    out_specs=pl.BlockSpec((1, 1, ROW_TILE), lambda i: (i, 0, 0)),
    out_shape=jax.ShapeDtypeStruct((N_ROW_TILES, 1, ROW_TILE), jnp.int32),
)


_NC = 2
_NS = 16
_NW = _NC * _NS
_B_PER_W = ROWS // _NW
_LANES = 16
_GROUPS = DIM // _LANES


@functools.cache
def _make_sc_gather():
    mesh = plsc.VectorSubcoreMesh(core_axis_name="c", subcore_axis_name="s")

    @functools.partial(
        pl.kernel,
        mesh=mesh,
        compiler_params=pltpu.CompilerParams(use_tc_tiling_on_sc=False),
        out_type=(
            jax.ShapeDtypeStruct((ROWS, DIM), jnp.float32),
            jax.ShapeDtypeStruct((_NW, _LANES), jnp.float32),
        ),
        scratch_types=[
            pltpu.VMEM((_B_PER_W,), jnp.int32),
            pltpu.VMEM((_B_PER_W, DIM), jnp.float32),
            pltpu.VMEM((_B_PER_W, DIM), jnp.float32),
            pltpu.VMEM((_LANES,), jnp.float32),
            pltpu.SemaphoreType.DMA,
        ],
    )
    def _sc_gather(table_hbm, idx_hbm, x_hbm, out_hbm, loss_hbm,
                   idx_v, rows_v, x_v, acc_v, sem):
        wid = lax.axis_index("s") * _NC + lax.axis_index("c")
        base = wid * _B_PER_W
        pltpu.sync_copy(idx_hbm.at[pl.ds(base, _B_PER_W)], idx_v)
        copy = pltpu.async_copy(table_hbm.at[idx_v], rows_v, sem)
        pltpu.sync_copy(x_hbm.at[pl.ds(base, _B_PER_W)], x_v)
        copy.wait()

        def body(r, acc):
            for g in range(_GROUPS):
                q = rows_v[r, pl.ds(g * _LANES, _LANES)]
                xv = x_v[r, pl.ds(g * _LANES, _LANES)]
                diff = q - xv
                acc = acc + diff * diff
                rows_v[r, pl.ds(g * _LANES, _LANES)] = xv + diff
            return acc

        acc = lax.fori_loop(0, _B_PER_W, body,
                            jnp.zeros((_LANES,), jnp.float32))
        acc_v[...] = acc
        pltpu.sync_copy(rows_v, out_hbm.at[pl.ds(base, _B_PER_W)])
        pltpu.sync_copy(acc_v, loss_hbm.at[wid])

    return _sc_gather


def kernel(inputs, embeddings):
    input_shape = inputs.shape
    flat = inputs.reshape(ROWS, DIM)
    idx3 = _tc_call(flat, embeddings)
    idx = idx3.reshape(ROWS)
    quantized_st, loss_part = _make_sc_gather()(embeddings, idx, flat)
    loss = jnp.sum(loss_part) * jnp.float32(1.0 / (ROWS * DIM))
    return (quantized_st.reshape(input_shape), loss,
            idx.reshape(input_shape[:-1]))

# --- scband reference (transcript-rebuilt; emitter-appended) ---
"""Pipeline reference for scband-vector-quantizer-28432683499581 (READ-ONLY COPY).

The authoritative reference and input builder live on the scoring server;
editing this copy changes nothing except your own understanding.
"""

import jax, jax.numpy as jnp
import numpy as np

NUM_EMBEDDINGS = 8192
EMBEDDING_DIM = 64


def setup_inputs(seed: int = 0) -> dict:
    key = jax.random.key(seed)
    k1, k2 = jax.random.split(key)
    inputs = jax.random.normal(k1, (16, 1024, EMBEDDING_DIM), dtype=jnp.float32)
    emb = jax.random.normal(k2, (NUM_EMBEDDINGS, EMBEDDING_DIM), dtype=jnp.float32)
    emb = emb / jnp.maximum(jnp.linalg.norm(emb, axis=1, keepdims=True), 1e-12)
    return {"inputs": inputs, "embeddings": emb}


def reference(inputs, embeddings):
    # eval-mode forward of VectorQuantizer (use_commitment=False)
    input_shape = inputs.shape
    flat_input = inputs.reshape(-1, EMBEDDING_DIM)
    # F.normalize(flat_input, p=2, dim=1) with eps clamp
    norm = jnp.linalg.norm(flat_input, axis=1, keepdims=True)
    flat_input_norm = flat_input / jnp.maximum(norm, 1e-12)
    # cosine-similarity 'distances' and nearest-code argmax
    distances = jnp.matmul(flat_input_norm, embeddings.T)
    encoding_indices = jnp.argmax(distances, axis=1)
    # embedding lookup (gather)
    quantized = jnp.take(embeddings, encoding_indices, axis=0)
    quantized = quantized.reshape(input_shape)
    encoding_indices = encoding_indices.reshape(input_shape[:-1])
    # codebook loss: mse(quantized, stop_grad(inputs))
    loss = jnp.mean((quantized - jax.lax.stop_gradient(inputs)) ** 2)
    # straight-through estimator
    quantized_st = inputs + jax.lax.stop_gradient(quantized - inputs)
    return (quantized_st, loss, encoding_indices)

if __name__ == "__main__":
    import jax
    _d = setup_inputs()
    print(jax.jit(kernel)(*tuple(_d.values())))

</pallas_src>

<mosaic_0001>
#map = affine_map<(d0, d1) -> (0, 0)>
#map1 = affine_map<(d0, d1) -> (0)>
module attributes {stable_mosaic.version = 14 : i64} {
  func.func @_sc_gather(%arg0: i32, %arg1: i32, %arg2: memref<8192x64xf32, #tpu.memory_space<hbm>>, %arg3: memref<16384xi32, #tpu.memory_space<hbm>>, %arg4: memref<16384x64xf32, #tpu.memory_space<hbm>>, %arg5: memref<16384x64xf32, #tpu.memory_space<hbm>>, %arg6: memref<32x16xf32, #tpu.memory_space<hbm>>, %arg7: memref<512xi32, #tpu.memory_space<vmem>>, %arg8: memref<512x64xf32, #tpu.memory_space<vmem>>, %arg9: memref<512x64xf32, #tpu.memory_space<vmem>>, %arg10: memref<16xf32, #tpu.memory_space<vmem>>, %arg11: memref<!tpu.dma_semaphore, #tpu.memory_space<semaphore_mem>>) attributes {dimension_semantics = [#tpu.dimension_semantics<core_parallel>, #tpu.dimension_semantics<subcore_parallel>], iteration_bounds = array<i64: 2, 16>, scalar_prefetch = 0 : i64, scratch_operands = 5 : i64, tpu.core_type = #tpu.core_type<sc_vector_subcore>, window_params = [{transform_indices = #map}, {transform_indices = #map1}, {transform_indices = #map}, {transform_indices = #map}, {transform_indices = #map}]} {
    %mul3A = arith.constant 2 : i32
    %mul3A_0 = arith.muli %arg1, %mul3A : i32
    %add3A = arith.addi %mul3A_0, %arg0 : i32
    %mul3A_1 = arith.constant 512 : i32
    %mul3A_2 = arith.muli %add3A, %mul3A_1 : i32
    "tpu.region"() ({
      %run_scoped3A = tpu.sem_alloc : memref<!tpu.dma_semaphore, #tpu.memory_space<semaphore_mem>>
      %dma_start3A_16 = tpu.memref_slice %arg3[%mul3A_2] : memref<16384xi32, #tpu.memory_space<hbm>> -> memref<512xi32, #tpu.memory_space<hbm>>
      %dma_start3A_17 = tpu.memref_slice %arg3[%mul3A_2] : memref<16384xi32, #tpu.memory_space<hbm>> -> memref<512xi32, #tpu.memory_space<hbm>>
      tpu.enqueue_dma source(%dma_start3A_17 : memref<512xi32, #tpu.memory_space<hbm>>) target(%arg7 : memref<512xi32, #tpu.memory_space<vmem>>) target_semaphore(%run_scoped3A : memref<!tpu.dma_semaphore, #tpu.memory_space<semaphore_mem>>)
      %dma_wait3A_18 = tpu.memref_slice %arg3[%mul3A_2] : memref<16384xi32, #tpu.memory_space<hbm>> -> memref<512xi32, #tpu.memory_space<hbm>>
      %dma_wait3A_19 = tpu.memref_slice %arg3[%mul3A_2] : memref<16384xi32, #tpu.memory_space<hbm>> -> memref<512xi32, #tpu.memory_space<hbm>>
      tpu.wait_dma2 semaphore(%run_scoped3A : memref<!tpu.dma_semaphore, #tpu.memory_space<semaphore_mem>>) src(%dma_wait3A_19 : memref<512xi32, #tpu.memory_space<hbm>>) dst(%arg7 : memref<512xi32, #tpu.memory_space<vmem>>)
      tpu.yield
    }) : () -> ()
    %dma_start3A = arith.constant 0 : i32
    %dma_start3A_3 = arith.constant 0 : i32
    %dma_start3A_4 = tpu.memref_slice %arg2[%dma_start3A, %dma_start3A_3] : memref<8192x64xf32, #tpu.memory_space<hbm>> -> memref<8192x64xf32, #tpu.memory_space<hbm>>
    tpu.enqueue_indirect_dma source(%dma_start3A_4 : memref<8192x64xf32, #tpu.memory_space<hbm>>) target(%arg8 : memref<512x64xf32, #tpu.memory_space<vmem>>) offsets(%arg7 : memref<512xi32, #tpu.memory_space<vmem>>) semaphore(%arg11 : memref<!tpu.dma_semaphore, #tpu.memory_space<semaphore_mem>>)
    "tpu.region"() ({
      %run_scoped3A = tpu.sem_alloc : memref<!tpu.dma_semaphore, #tpu.memory_space<semaphore_mem>>
      %dma_start3A_16 = arith.constant 0 : i32
      %dma_start3A_17 = tpu.memref_slice %arg4[%mul3A_2, %dma_start3A_16] : memref<16384x64xf32, #tpu.memory_space<hbm>> -> memref<512x64xf32, #tpu.memory_space<hbm>>
      %dma_start3A_18 = arith.constant 0 : i32
      %dma_start3A_19 = tpu.memref_slice %arg4[%mul3A_2, %dma_start3A_18] : memref<16384x64xf32, #tpu.memory_space<hbm>> -> memref<512x64xf32, #tpu.memory_space<hbm>>
      tpu.enqueue_dma source(%dma_start3A_19 : memref<512x64xf32, #tpu.memory_space<hbm>>) target(%arg9 : memref<512x64xf32, #tpu.memory_space<vmem>>) target_semaphore(%run_scoped3A : memref<!tpu.dma_semaphore, #tpu.memory_space<semaphore_mem>>)
      %dma_wait3A_20 = arith.constant 0 : i32
      %dma_wait3A_21 = tpu.memref_slice %arg4[%mul3A_2, %dma_wait3A_20] : memref<16384x64xf32, #tpu.memory_space<hbm>> -> memref<512x64xf32, #tpu.memory_space<hbm>>
      %dma_wait3A_22 = arith.constant 0 : i32
      %dma_wait3A_23 = tpu.memref_slice %arg4[%mul3A_2, %dma_wait3A_22] : memref<16384x64xf32, #tpu.memory_space<hbm>> -> memref<512x64xf32, #tpu.memory_space<hbm>>
      tpu.wait_dma2 semaphore(%run_scoped3A : memref<!tpu.dma_semaphore, #tpu.memory_space<semaphore_mem>>) src(%dma_wait3A_23 : memref<512x64xf32, #tpu.memory_space<hbm>>) dst(%arg9 : memref<512x64xf32, #tpu.memory_space<vmem>>)
      tpu.yield
    }) : () -> ()
    %dma_wait3A = arith.constant 0 : i32
    %dma_wait3A_5 = arith.constant 0 : i32
    %dma_wait3A_6 = tpu.memref_slice %arg2[%dma_wait3A, %dma_wait3A_5] : memref<8192x64xf32, #tpu.memory_space<hbm>> -> memref<8192x64xf32, #tpu.memory_space<hbm>>
    tpu.wait_indirect_dma semaphore(%arg11 : memref<!tpu.dma_semaphore, #tpu.memory_space<semaphore_mem>>) src(%dma_wait3A_6 : memref<8192x64xf32, #tpu.memory_space<hbm>>) dst(%arg8 : memref<512x64xf32, #tpu.memory_space<vmem>>)
    %broadcast_in_dim3A = arith.constant 0.000000e+00 : f32
    %broadcast_in_dim3A_7 = vector.broadcast %broadcast_in_dim3A : f32 to vector<16xf32>
    %scan3A = arith.constant 0 : i32
    %scan3A_8 = arith.constant 512 : i32
    %scan3A_9 = arith.addi %scan3A, %scan3A_8 : i32
    %scan3A_10 = arith.constant 1 : i32
    %scan3A_11 = scf.for %scan3A_16 = %scan3A to %scan3A_9 step %scan3A_10 iter_args(%scan3A_17 = %broadcast_in_dim3A_7) -> (vector<16xf32>)  : i32 {
      %get3A = arith.index_cast %scan3A_16 : i32 to index
      %get3A_18 = arith.constant 0 : index
      %get3A_19 = tpu.vector_load %arg8[%get3A, %get3A_18] {strides = array<i32>} : memref<512x64xf32, #tpu.memory_space<vmem>>, vector<1x16xf32>,
      %get3A_20 = vector.shape_cast %get3A_19 : vector<1x16xf32> to vector<16xf32>
      %get3A_21 = arith.index_cast %scan3A_16 : i32 to index
      %get3A_22 = arith.constant 0 : index
      %get3A_23 = tpu.vector_load %arg9[%get3A_21, %get3A_22] {strides = array<i32>} : memref<512x64xf32, #tpu.memory_space<vmem>>, vector<1x16xf32>,
      %get3A_24 = vector.shape_cast %get3A_23 : vector<1x16xf32> to vector<16xf32>
      %sub3A = arith.subf %get3A_20, %get3A_24 : vector<16xf32>
      %mul3A_25 = arith.mulf %sub3A, %sub3A : vector<16xf32>
      %add3A_26 = arith.addf %scan3A_17, %mul3A_25 : vector<16xf32>
      %add3A_27 = arith.addf %get3A_24, %sub3A : vector<16xf32>
      %swap3A_28 = arith.index_cast %scan3A_16 : i32 to index
      %swap3A_29 = arith.constant 0 : index
      %swap3A_30 = tpu.vector_load %arg8[%swap3A_28, %swap3A_29] {strides = array<i32>} : memref<512x64xf32, #tpu.memory_space<vmem>>, vector<1x16xf32>,
      %swap3A_31 = vector.shape_cast %swap3A_30 : vector<1x16xf32> to vector<16xf32>
      %swap3A_32 = vector.shape_cast %add3A_27 : vector<16xf32> to vector<1x16xf32>
      tpu.vector_store %arg8[%swap3A_28, %swap3A_29], %swap3A_32 {strides = array<i32>} : memref<512x64xf32, #tpu.memory_space<vmem>>, vector<1x16xf32>,
      %get3A_33 = arith.index_cast %scan3A_16 : i32 to index
      %get3A_34 = arith.constant 16 : index
      %get3A_35 = tpu.vector_load %arg8[%get3A_33, %get3A_34] {strides = array<i32>} : memref<512x64xf32, #tpu.memory_space<vmem>>, vector<1x16xf32>,
      %get3A_36 = vector.shape_cast %get3A_35 : vector<1x16xf32> to vector<16xf32>
      %get3A_37 = arith.index_cast %scan3A_16 : i32 to index
      %get3A_38 = arith.constant 16 : index
      %get3A_39 = tpu.vector_load %arg9[%get3A_37, %get3A_38] {strides = array<i32>} : memref<512x64xf32, #tpu.memory_space<vmem>>, vector<1x16xf32>,
      %get3A_40 = vector.shape_cast %get3A_39 : vector<1x16xf32> to vector<16xf32>
      %sub3A_41 = arith.subf %get3A_36, %get3A_40 : vector<16xf32>
      %mul3A_42 = arith.mulf %sub3A_41, %sub3A_41 : vector<16xf32>
      %add3A_43 = arith.addf %add3A_26, %mul3A_42 : vector<16xf32>
      %add3A_44 = arith.addf %get3A_40, %sub3A_41 : vector<16xf32>
      %swap3A_45 = arith.index_cast %scan3A_16 : i32 to index
      %swap3A_46 = arith.constant 16 : index
      %swap3A_47 = tpu.vector_load %arg8[%swap3A_45, %swap3A_46] {strides = array<i32>} : memref<512x64xf32, #tpu.memory_space<vmem>>, vector<1x16xf32>,
      %swap3A_48 = vector.shape_cast %swap3A_47 : vector<1x16xf32> to vector<16xf32>
      %swap3A_49 = vector.shape_cast %add3A_44 : vector<16xf32> to vector<1x16xf32>
      tpu.vector_store %arg8[%swap3A_45, %swap3A_46], %swap3A_49 {strides = array<i32>} : memref<512x64xf32, #tpu.memory_space<vmem>>, vector<1x16xf32>,
      %get3A_50 = arith.index_cast %scan3A_16 : i32 to index
      %get3A_51 = arith.constant 32 : index
      %get3A_52 = tpu.vector_load %arg8[%get3A_50, %get3A_51] {strides = array<i32>} : memref<512x64xf32, #tpu.memory_space<vmem>>, vector<1x16xf32>,
      %get3A_53 = vector.shape_cast %get3A_52 : vector<1x16xf32> to vector<16xf32>
      %get3A_54 = arith.index_cast %scan3A_16 : i32 to index
      %get3A_55 = arith.constant 32 : index
      %get3A_56 = tpu.vector_load %arg9[%get3A_54, %get3A_55] {strides = array<i32>} : memref<512x64xf32, #tpu.memory_space<vmem>>, vector<1x16xf32>,
      %get3A_57 = vector.shape_cast %get3A_56 : vector<1x16xf32> to vector<16xf32>
      %sub3A_58 = arith.subf %get3A_53, %get3A_57 : vector<16xf32>
      %mul3A_59 = arith.mulf %sub3A_58, %sub3A_58 : vector<16xf32>
      %add3A_60 = arith.addf %add3A_43, %mul3A_59 : vector<16xf32>
      %add3A_61 = arith.addf %get3A_57, %sub3A_58 : vector<16xf32>
      %swap3A_62 = arith.index_cast %scan3A_16 : i32 to index
      %swap3A_63 = arith.constant 32 : index
      %swap3A_64 = tpu.vector_load %arg8[%swap3A_62, %swap3A_63] {strides = array<i32>} : memref<512x64xf32, #tpu.memory_space<vmem>>, vector<1x16xf32>,
      %swap3A_65 = vector.shape_cast %swap3A_64 : vector<1x16xf32> to vector<16xf32>
      %swap3A_66 = vector.shape_cast %add3A_61 : vector<16xf32> to vector<1x16xf32>
      tpu.vector_store %arg8[%swap3A_62, %swap3A_63], %swap3A_66 {strides = array<i32>} : memref<512x64xf32, #tpu.memory_space<vmem>>, vector<1x16xf32>,
      %get3A_67 = arith.index_cast %scan3A_16 : i32 to index
      %get3A_68 = arith.constant 48 : index
      %get3A_69 = tpu.vector_load %arg8[%get3A_67, %get3A_68] {strides = array<i32>} : memref<512x64xf32, #tpu.memory_space<vmem>>, vector<1x16xf32>,
      %get3A_70 = vector.shape_cast %get3A_69 : vector<1x16xf32> to vector<16xf32>
      %get3A_71 = arith.index_cast %scan3A_16 : i32 to index
      %get3A_72 = arith.constant 48 : index
      %get3A_73 = tpu.vector_load %arg9[%get3A_71, %get3A_72] {strides = array<i32>} : memref<512x64xf32, #tpu.memory_space<vmem>>, vector<1x16xf32>,
      %get3A_74 = vector.shape_cast %get3A_73 : vector<1x16xf32> to vector<16xf32>
      %sub3A_75 = arith.subf %get3A_70, %get3A_74 : vector<16xf32>
      %mul3A_76 = arith.mulf %sub3A_75, %sub3A_75 : vector<16xf32>
      %add3A_77 = arith.addf %add3A_60, %mul3A_76 : vector<16xf32>
      %add3A_78 = arith.addf %get3A_74, %sub3A_75 : vector<16xf32>
      %swap3A_79 = arith.index_cast %scan3A_16 : i32 to index
      %swap3A_80 = arith.constant 48 : index
      %swap3A_81 = tpu.vector_load %arg8[%swap3A_79, %swap3A_80] {strides = array<i32>} : memref<512x64xf32, #tpu.memory_space<vmem>>, vector<1x16xf32>,
      %swap3A_82 = vector.shape_cast %swap3A_81 : vector<1x16xf32> to vector<16xf32>
      %swap3A_83 = vector.shape_cast %add3A_78 : vector<16xf32> to vector<1x16xf32>
      tpu.vector_store %arg8[%swap3A_79, %swap3A_80], %swap3A_83 {strides = array<i32>} : memref<512x64xf32, #tpu.memory_space<vmem>>, vector<1x16xf32>,
      scf.yield %add3A_77 : vector<16xf32>
    }
    %scan3A_12 = arith.constant 512 : i32
    %swap3A = arith.constant 0 : index
    %swap3A_13 = tpu.vector_load %arg10[%swap3A] {strides = array<i32>} : memref<16xf32, #tpu.memory_space<vmem>>, vector<16xf32>,
    %swap3A_14 = vector.shape_cast %swap3A_13 : vector<16xf32> to vector<16xf32>
    %swap3A_15 = vector.shape_cast %scan3A_11 : vector<16xf32> to vector<16xf32>
    tpu.vector_store %arg10[%swap3A], %swap3A_15 {strides = array<i32>} : memref<16xf32, #tpu.memory_space<vmem>>, vector<16xf32>,
    "tpu.region"() ({
      %run_scoped3A = tpu.sem_alloc : memref<!tpu.dma_semaphore, #tpu.memory_space<semaphore_mem>>
      %dma_start3A_16 = arith.constant 0 : i32
      %dma_start3A_17 = tpu.memref_slice %arg5[%mul3A_2, %dma_start3A_16] : memref<16384x64xf32, #tpu.memory_space<hbm>> -> memref<512x64xf32, #tpu.memory_space<hbm>>
      %dma_start3A_18 = arith.constant 0 : i32
      %dma_start3A_19 = tpu.memref_slice %arg5[%mul3A_2, %dma_start3A_18] : memref<16384x64xf32, #tpu.memory_space<hbm>> -> memref<512x64xf32, #tpu.memory_space<hbm>>
      tpu.enqueue_dma source(%arg8 : memref<512x64xf32, #tpu.memory_space<vmem>>) target(%dma_start3A_19 : memref<512x64xf32, #tpu.memory_space<hbm>>) target_semaphore(%run_scoped3A : memref<!tpu.dma_semaphore, #tpu.memory_space<semaphore_mem>>)
      %dma_wait3A_20 = arith.constant 0 : i32
      %dma_wait3A_21 = tpu.memref_slice %arg5[%mul3A_2, %dma_wait3A_20] : memref<16384x64xf32, #tpu.memory_space<hbm>> -> memref<512x64xf32, #tpu.memory_space<hbm>>
      %dma_wait3A_22 = arith.constant 0 : i32
      %dma_wait3A_23 = tpu.memref_slice %arg5[%mul3A_2, %dma_wait3A_22] : memref<16384x64xf32, #tpu.memory_space<hbm>> -> memref<512x64xf32, #tpu.memory_space<hbm>>
      tpu.wait_dma2 semaphore(%run_scoped3A : memref<!tpu.dma_semaphore, #tpu.memory_space<semaphore_mem>>) src(%arg8 : memref<512x64xf32, #tpu.memory_space<vmem>>) dst(%dma_wait3A_23 : memref<512x64xf32, #tpu.memory_space<hbm>>)
      tpu.yield
    }) : () -> ()
    "tpu.region"() ({
      %run_scoped3A = tpu.sem_alloc : memref<!tpu.dma_semaphore, #tpu.memory_space<semaphore_mem>>
      %dma_start3A_16 = arith.constant 0 : i32
      %dma_start3A_17 = tpu.memref_slice %arg6[%add3A, %dma_start3A_16] : memref<32x16xf32, #tpu.memory_space<hbm>> -> memref<1x16xf32, #tpu.memory_space<hbm>>
      %dma_start3A_18 = tpu.memref_squeeze %dma_start3A_17 : memref<1x16xf32, #tpu.memory_space<hbm>> -> memref<16xf32, #tpu.memory_space<hbm>>
      %dma_start3A_19 = arith.constant 0 : i32
      %dma_start3A_20 = tpu.memref_slice %arg6[%add3A, %dma_start3A_19] : memref<32x16xf32, #tpu.memory_space<hbm>> -> memref<1x16xf32, #tpu.memory_space<hbm>>
      %dma_start3A_21 = tpu.memref_squeeze %dma_start3A_20 : memref<1x16xf32, #tpu.memory_space<hbm>> -> memref<16xf32, #tpu.memory_space<hbm>>
      tpu.enqueue_dma source(%arg10 : memref<16xf32, #tpu.memory_space<vmem>>) target(%dma_start3A_21 : memref<16xf32, #tpu.memory_space<hbm>>) target_semaphore(%run_scoped3A : memref<!tpu.dma_semaphore, #tpu.memory_space<semaphore_mem>>)
      %dma_wait3A_22 = arith.constant 0 : i32
      %dma_wait3A_23 = tpu.memref_slice %arg6[%add3A, %dma_wait3A_22] : memref<32x16xf32, #tpu.memory_space<hbm>> -> memref<1x16xf32, #tpu.memory_space<hbm>>
      %dma_wait3A_24 = tpu.memref_squeeze %dma_wait3A_23 : memref<1x16xf32, #tpu.memory_space<hbm>> -> memref<16xf32, #tpu.memory_space<hbm>>
      %dma_wait3A_25 = arith.constant 0 : i32
      %dma_wait3A_26 = tpu.memref_slice %arg6[%add3A, %dma_wait3A_25] : memref<32x16xf32, #tpu.memory_space<hbm>> -> memref<1x16xf32, #tpu.memory_space<hbm>>
      %dma_wait3A_27 = tpu.memref_squeeze %dma_wait3A_26 : memref<1x16xf32, #tpu.memory_space<hbm>> -> memref<16xf32, #tpu.memory_space<hbm>>
      tpu.wait_dma2 semaphore(%run_scoped3A : memref<!tpu.dma_semaphore, #tpu.memory_space<semaphore_mem>>) src(%arg10 : memref<16xf32, #tpu.memory_space<vmem>>) dst(%dma_wait3A_27 : memref<16xf32, #tpu.memory_space<hbm>>)
      tpu.yield
    }) : () -> ()
    return
  }
}

module attributes {stable_mosaic.version = 14 : i64} {
  func.func @_tc_body(%arg0: i32, %arg1: memref<1024x64xf32, #tpu.memory_space<vmem>>, %arg2: memref<8192x64xf32, #tpu.memory_space<vmem>>, %arg3: memref<1x1x1024xi32, #tpu.memory_space<vmem>>) attributes {dimension_semantics = [#tpu.dimension_semantics<arbitrary>], iteration_bounds = array<i64: 16>, scalar_prefetch = 0 : i64, scratch_operands = 0 : i64, tpu.core_type = #tpu.core_type<tc>, window_params = [{transform_indices = @transform_0, window_bounds = array<i64: 1024, 64>}, {pipeline_mode = #tpu.pipeline_mode<synchronous>, transform_indices = @transform_1, window_bounds = array<i64: 8192, 64>}, {transform_indices = @transform_2, window_bounds = array<i64: 1, 1, 1024>}]} {
    %get3A = arith.constant 0 : index
    %get3A_0 = arith.constant 0 : index
    %get3A_1 = vector.load %arg1[%get3A, %get3A_0] : memref<1024x64xf32, #tpu.memory_space<vmem>>, vector<1024x64xf32>
    %mul3A = arith.mulf %get3A_1, %get3A_1 : vector<1024x64xf32>
    %reduce_sum3A = arith.constant dense<0.000000e+00> : vector<1024xf32>
    %reduce_sum3A_2 = vector.multi_reduction <add>, %mul3A, %reduce_sum3A [1] : vector<1024x64xf32> to vector<1024xf32>
    %broadcast_in_dim3A = vector.shape_cast %reduce_sum3A_2 : vector<1024xf32> to vector<1024x1xf32>
    %sqrt3A = math.sqrt %broadcast_in_dim3A : vector<1024x1xf32>
    %max3A = arith.constant 9.99999996E-13 : f32
    %max3A_3 = vector.broadcast %max3A : f32 to vector<1024x1xf32>
    %max3A_4 = arith.maximumf %sqrt3A, %max3A_3 : vector<1024x1xf32>
    %div3A = vector.broadcast %max3A_4 : vector<1024x1xf32> to vector<1024x64xf32>
    %div3A_5 = arith.divf %get3A_1, %div3A : vector<1024x64xf32>
    %get3A_6 = arith.constant 0 : index
    %get3A_7 = arith.constant 0 : index
    %get3A_8 = vector.load %arg2[%get3A_6, %get3A_7] : memref<8192x64xf32, #tpu.memory_space<vmem>>, vector<8192x64xf32>
    %dot_general3A = arith.constant dense<0.000000e+00> : vector<1024x8192xf32>
    %dot_general3A_9 = tpu.matmul %div3A_5, %get3A_8, %dot_general3A {dimension_numbers = #tpu.dot_dimension_numbers<[1], [1], [0], [0], [0, 0, 1, 0], [], []>, transpose_lhs_hint = false} : vector<1024x64xf32>, vector<8192x64xf32>, vector<1024x8192xf32> -> vector<1024x8192xf32>
    %argmax3A = tpu.reduce_index %dot_general3A_9 {axis = 1 : i32, kind = #tpu.reduction_kind<arg_max>} : vector<1024x8192xf32> -> vector<1024xi32>
    %swap3A = arith.constant 0 : index
    %swap3A_10 = arith.constant 0 : index
    %swap3A_11 = arith.constant 0 : index
    %swap3A_12 = vector.load %arg3[%swap3A, %swap3A_10, %swap3A_11] : memref<1x1x1024xi32, #tpu.memory_space<vmem>>, vector<1x1x1024xi32>
    %swap3A_13 = vector.shape_cast %swap3A_12 : vector<1x1x1024xi32> to vector<1024xi32>
    %swap3A_14 = vector.shape_cast %argmax3A : vector<1024xi32> to vector<1x1x1024xi32>
    tpu.vector_store %arg3[%swap3A, %swap3A_10, %swap3A_11], %swap3A_14 {strides = array<i32>} : memref<1x1x1024xi32, #tpu.memory_space<vmem>>, vector<1x1x1024xi32>,
    return
  }
  func.func @transform_0(%arg0: i32) -> (i32, i32) {
    %c0_i32 = arith.constant 0 : i32
    %c0_i32_0 = arith.constant 0 : i32
    return %arg0, %c0_i32 : i32, i32
  }
  func.func @transform_1(%arg0: i32) -> (i32, i32) {
    %c0_i32 = arith.constant 0 : i32
    %c0_i32_0 = arith.constant 0 : i32
    %c0_i32_1 = arith.constant 0 : i32
    return %c0_i32, %c0_i32_0 : i32, i32
  }
  func.func @transform_2(%arg0: i32) -> (i32, i32, i32) {
    %c0_i32 = arith.constant 0 : i32
    %c0_i32_0 = arith.constant 0 : i32
    %c0_i32_1 = arith.constant 0 : i32
    return %arg0, %c0_i32, %c0_i32_0 : i32, i32, i32
  }
}

</mosaic_0001>

<sc_bundles>
// kernel: kernel.4.cloned.1.call-start
scs
__scs_entry_jumppad:
0x0: {  	(pc) =	sbr.rel $0x88, $3  }
0x1: {  	(tag) =	ssettag $0x0;
	lr =	simm.s32 $0x1  }
0x2: {  	[smem:$0x3F9F] =	sst lr;
	_ =	strace $0xD0000000  }
0x3: {  	_ = 	snop  }
0x4: {  	_ = 	snop  }
0x5: {  	_ = 	snop  }
0x6: {  	_ = 	snop  }
0x7: {  	_ = 	snop  }
__scs_overlays_trampoline_lowered:
0x8: {  	[smem:$0x3FAE] =	sst s0  }
0x9: {  	[smem:$0x3FAF] =	sst s1  }
0xa: {  	[smem:$0x3FB0] =	sst s2  }
0xb: {  	[smem:$0x3FB1] =	sst s3  }
0xc: {  	[smem:$0x3FB2] =	sst s4  }
0xd: {  	[smem:$0x3FB3] =	sst s5  }
0xe: {  	[smem:$0x3FB4] =	sst s6  }
0xf: {  	[smem:$0x3FB5] =	sst s7  }
0x10: {  	[smem:$0x3FB6] =	sst s8  }
0x11: {  	[smem:$0x3FB7] =	sst s9;
	s0 =	simm.s32 @!p0 $0x0  }
0x12: {  	s1 =	sld [smem:$0x3F9D];
	s0 =	simm.s32 @p0 $0x1  }
0x13: {  	[smem:$0x3FB8] =	sst s0;
	s0 =	simm.s32 @!p1 $0x0  }
0x14: {  	s2 =	sld [smem:$0x3F9C];
	s0 =	simm.s32 @p1 $0x1  }
0x15: {  	[smem:$0x3FB9] =	sst s0;
	s0 =	simm.s32 @!p2 $0x0  }
0x16: {  	s3 =	sld [smem:$0x3FDB];
	s0 =	simm.s32 @p2 $0x1  }
0x17: {  	s4 =	simm.s32 $0x1BF5;
	[smem:$0x3FBB] =	sst s0  }
0x18: {  	s0 =	sld [smem:$0x3F9E];
	_ =	swait.ge [sflag:s4], $0x0  }
0x19: {  	s7 =	sld [smem:$0x3F9F]  }
0x1a: {  	s8 =	sadd.s32 $0xFFFFE003, lr  }
0x1b: {  	s9 =	sadd.s32 $0xFFFFFEF7, lr;
	s5 =	simm.s32 $0xFFFFFFFF;
	p2 =	slt.u32 s8, $0xFFFFF086  }
0x1c: {  	p1 =	slt.u32 s9, $0xF7A;
	s5 =	simm.s32 @!p2 $0x0  }
0x1d: {  	s5 =	simm.s32 @p1 $0x1;
	p0 =	seq.s32 s7, s2  }
0x1e: {  	s7 =	smul.u32 @!p0 $0xF7A, s2;
	p2 =	seq.s32 @!p0 s5, $0x0  }
0x1f: {  	s9 =	smul.u32 $0xF7A, s1;
	s8 =	simm.s32 @!p0 $0x1BF5;
	p2 =	por !p2, p0  }
0x20: {  	[sflag:s8] =	ssyncset.s32 @!p0 $0xFFFFF086;
	s6 =	sadd.s32 @!p0 s3, s7;
	s7 =	simm.s32 @!p0 $0x108  }
0x21: {  	s3 =	sadd.s32 s3, s9;
	s6 =	sadd.s32 @!p0 $0x88, s6;
	s7 =	simm.s32 @p2 $0x1082  }
0x22: {  	[simem:s7], [sflag:s8] =	dma.local @!p0 [hbm:s6], $0xF7A  }
0x23: {  	s9 =	sor.u32 $0xD0000000, s2;
	s6 =	simm.s32 $0x108;
	_ =	swait.ge @!p0 [sflag:s8], $0x0  }
0x24: {  	s3 =	sadd.s32 $0x88, s3;
	s6 =	simm.s32 @!p1 $0x1082;
	[sflag:s4] =	ssyncset.s32 $0xFFFFF086  }
0x25: {  	[simem:s6], [sflag:s4] =	dma.local [hbm:s3], $0xF7A  }
0x26: {  	[smem:$0x3F9F] =	sst s1;
	(tag) =	ssettag s2;
	_ =	strace s9  }
0x27: {  	s1 =	sld [smem:$0x3FAF]  }
0x28: {  	s2 =	sld [smem:$0x3FB0]  }
0x29: {  	s4 =	sld [smem:$0x3FB2]  }
0x2a: {  	p0 =	seq.s32 s5, $0x0;
	s5 =	sld [smem:$0x3FB3]  }
0x2b: {  	s6 =	sld [smem:$0x3FB4]  }
0x2c: {  	s7 =	sld [smem:$0x3FB5]  }
0x2d: {  	s3 =	simm.s32 $0x108;
	s8 =	sld [smem:$0x3FB6]  }
0x2e: {  	s3 =	simm.s32 @!p0 $0x1082;
	s9 =	sld [smem:$0x3FB7]  }
0x2f: {  	lr =	sadd.s32 s0, s3;
	s0 =	sld [smem:$0x3FAE]  }
0x30: {  	s3 =	sld [smem:$0x3FB1]  }
0x31: {  	[smem:$0x3FBA] =	sst s10  }
0x32: {  	s10 =	sld [smem:$0x3FB8];
	_ =	sdelay $0x3  }
0x33: {  	p0 =	seq.s32 s10, $0x1;
	s10 =	sld [smem:$0x3FBA];
	_ =	sdelay $0x3  }
0x34: {  	[smem:$0x3FBA] =	sst s10  }
0x35: {  	s10 =	sld [smem:$0x3FB9];
	_ =	sdelay $0x3  }
0x36: {  	p1 =	seq.s32 s10, $0x1;
	s10 =	sld [smem:$0x3FBA];
	_ =	sdelay $0x3  }
0x37: {  	[smem:$0x3FBA] =	sst s10  }
0x38: {  	s10 =	sld [smem:$0x3FBB]  }
0x39: {  	_ = 	snop;
	(pc) =	sbr.ind lr, $3  }
0x3a: {  	_ = 	snop  }
0x3b: {  	_ = 	snop  }
0x3c: {  	p2 =	seq.s32 s10, $0x1;
	s10 =	sld [smem:$0x3FBA]  }
0x3d: {  	_ =	shalt  }
0x3e: {  	_ =	shalt  }
0x3f: {  	_ =	shalt  }
0x40: {  	_ =	shalt  }
0x41: {  	_ =	shalt  }
0x42: {  	_ =	shalt  }
0x43: {  	_ =	shalt  }
0x44: {  	_ =	shalt  }
0x45: {  	_ =	shalt  }
0x46: {  	_ =	shalt  }
0x47: {  	_ =	shalt  }
0x48: {  	_ =	shalt  }
0x49: {  	_ =	shalt  }
0x4a: {  	_ =	shalt  }
0x4b: {  	_ =	shalt  }
0x4c: {  	_ =	shalt  }
0x4d: {  	_ =	shalt  }
0x4e: {  	_ =	shalt  }
0x4f: {  	_ =	shalt  }
0x50: {  	_ =	shalt  }
0x51: {  	_ =	shalt  }
0x52: {  	_ =	shalt  }
0x53: {  	_ =	shalt  }
0x54: {  	_ =	shalt  }
0x55: {  	_ =	shalt  }
0x56: {  	_ =	shalt  }
0x57: {  	_ =	shalt  }
0x58: {  	_ =	shalt  }
0x59: {  	_ =	shalt  }
0x5a: {  	_ =	shalt  }
0x5b: {  	_ =	shalt  }
0x5c: {  	_ =	shalt  }
0x5d: {  	_ =	shalt  }
0x5e: {  	_ =	shalt  }
0x5f: {  	_ =	shalt  }
0x60: {  	_ =	shalt  }
0x61: {  	_ =	shalt  }
0x62: {  	_ =	shalt  }
0x63: {  	_ =	shalt  }
0x64: {  	_ =	shalt  }
0x65: {  	_ =	shalt  }
0x66: {  	_ =	shalt  }
0x67: {  	_ =	shalt  }
0x68: {  	_ =	shalt  }
0x69: {  	_ =	shalt  }
0x6a: {  	_ =	shalt  }
0x6b: {  	_ =	shalt  }
0x6c: {  	_ =	shalt  }
0x6d: {  	_ =	shalt  }
0x6e: {  	_ =	shalt  }
0x6f: {  	_ =	shalt  }
0x70: {  	_ =	shalt  }
0x71: {  	_ =	shalt  }
0x72: {  	_ =	shalt  }
0x73: {  	_ =	shalt  }
0x74: {  	_ =	shalt  }
0x75: {  	_ =	shalt  }
0x76: {  	_ =	shalt  }
0x77: {  	_ =	shalt  }
0x78: {  	_ =	shalt  }
0x79: {  	_ =	shalt  }
0x7a: {  	_ =	shalt  }
0x7b: {  	_ =	shalt  }
0x7c: {  	_ =	shalt  }
0x7d: {  	_ =	shalt  }
0x7e: {  	_ =	shalt  }
0x7f: {  	_ =	shalt  }
0x80: {  	_ =	shalt  }
0x81: {  	_ =	shalt  }
0x82: {  	_ =	shalt  }
0x83: {  	_ =	shalt  }
0x84: {  	_ =	shalt  }
0x85: {  	_ =	shalt  }
0x86: {  	_ =	shalt  }
0x87: {  	_ =	shalt  }
.Lfunc_end0:
.L_simem_size_0:
called_computation_lowered:
.L_overlay_start_0:
0x88: {  	s2 =	sld [smem:$0x3FD9]  }
0x89: {  	s3 =	sld [smem:$0x3FFE];
	_ =	sdelay $0x1  }
0x8a: {  	s1 =	srdreg.scid  }
0x8b: {  	s0 =	sand.u32 $0x1, s1  }
0x8c: {  	s14 =	sshll.u32 s0, $0xA;
	s2 =	sadd.s32 s3, s2  }
0x8d: {  	s2 =	sadd.s32 s2, s14  }
0x8e: {  	[smem:$0x3FC6] =	sst s2  }
0x8f: {  	_ = 	snop  }
0x90: {  	s2 =	sld [smem:$0x3FD0];
	_ =	sdelay $0x2  }
0x91: {  	s15 =	simm.s32 $0xA;
	s4 =	simm.s32 $0x10  }
0x92: {  	[smem:s4], [sflag:s15] =	dma.local [hbm:s2], $0x1  }
0x93: {  	_ =	swait.eq [sflag:s15], $0x1  }
0x94: {  	[sflag:s15] =	ssyncset.done $0x0  }
0x95: {  	[sflag:s15] =	ssyncadd.s32 $0xFFFFFFFF  }
0x96: {  	s16 =	sld [smem:$0x10];
	(tm) =	ssettm $0x1  }
0x97: {  	s17 =	sld [smem:$0x3FFB];
	_ =	sdelay $0x3  }
0x98: {  	_ =	strace s17  }
0x99: {  	s3 =	sld [smem:$0x3FFC];
	_ =	sdelay $0x3  }
0x9a: {  	_ =	strace s3  }
0x9b: {  	s3 =	sld [smem:$0x3FFD];
	_ =	sdelay $0x3  }
0x9c: {  	_ =	strace s3  }
0x9d: {  	_ =	strace $0x8FFFFFFF  }
0x9e: {  	s18 =	sld [smem:$0x3FDB];
	_ =	sdelay $0x1  }
0x9f: {  	s19 =	simm.s32 $_scs_section_size  }
0xa0: {  	s5 =	simm.s32 $_size__tile_overlayer_lowered;
	s6 =	simm.s32 $_tile_overlayer_lowered  }
0xa1: {  	s22 =	simm.s32 $0x1BFF;
	s21 =	sshll.u32 s6, $0x1;
	s3 =	sadd.s32 s19, s18  }
0xa2: {  	s7 =	simm.s32 $0x0;
	s20 =	sshll.u32 s5, $0x1;
	s5 =	sadd.s32 s21, s3  }
0xa3: {  	[timem:s7], [sflag:s22] =	dma.local [hbm:s5], s20  }
0xa4: {  	_ =	swait.ge [sflag:s22], s20  }
0xa5: {  	s4 =	ssub.s32 $0x0, s20;
	[sflag:s22] =	ssyncset.done $0x0  }
0xa6: {  	[sflag:s22] =	ssyncadd.s32 s4;
	_ =	sdelay $0x1  }
0xa7: {  	s23 =	simm.s32 $0x1B8B  }
0xa8: {  	_ =	swait.ge [sflag:s23], $0x1  }
0xa9: {  	[sflag:s23] =	ssyncset.done $0x0  }
0xaa: {  	s25 =	simm.s32 $0x1B8E;
	s24 =	sld [smem:$0x3FFE];
	[sflag:s23] =	ssyncadd.s32 $0xFFFFFFFF  }
0xab: {  	s26 =	simm.s32 $execute0_lowered;
	[smem:$0x3FD2] =	sst s25  }
0xac: {  	s5 =	sshll.u32 s26, $0x1;
	_ =	strace $0x80000046;
	[dreg:$0x1] =	wrdreg $0xFFFFFFFF  }
0xad: {  	s28 =	simm.s32 $_size_execute0_lowered;
	s3 =	sadd.s32 s3, s5;
	[dreg:$0x0] =	wrdreg $0x0  }
0xae: {  	s5 =	sshll.u32 s28, $0x1;
	[dreg:$0x2] =	wrdreg s3  }
0xaf: {  	[dreg:$0x3] =	wrdreg s5  }
0xb0: {  	[dreg:$0x4] =	wrdreg $0xC0  }
0xb1: {  	_ =	task [dreg:s7], $0x5FFFF  }
0xb2: {  	[dreg:$0x1] =	wrdreg $0xFFFFFFFF  }
0xb3: {  	[dreg:$0x0] =	wrdreg $0x60  }
0xb4: {  	[dreg:$0x2] =	wrdreg s24  }
0xb5: {  	[dreg:$0x3] =	wrdreg s16  }
0xb6: {  	[dreg:$0x4] =	wrdreg $0x9  }
0xb7: {  	_ =	task.clear_ibuf [dreg:s7], $0x5FFFF;
	_ =	strace $0x90000046  }
0xb8: {  	s29 =	simm.s32 $0x9;
	_ =	strace $0x80000048  }
0xb9: {  	_ =	swait.ge [sflag:s29], $0x1  }
0xba: {  	[sflag:s29] =	ssyncadd.s32 $0xFFFFFFFF  }
0xbb: {  	_ =	strace $0x90000048  }
0xbc: {  	_ =	sfence  }
0xbd: {  	s30 =	sld [smem:$0x0];
	_ =	sdelay $0x2  }
0xbe: {  	s31 =	sshll.u32 s1, $0xD;
	s1 =	sshrl.u32 s1, $0x2  }
0xbf: {  	s3 =	sand.u32 $0x4000, s31;
	s1 =	sadd.s32 s1, s30  }
0xc0: {  	s0 =	sor.u32 s3, s0;
	s1 =	sshll.u32 s1, $0x11  }
0xc1: {  	s0 =	sor.u32 s1, s0  }
0xc2: {  	s0 =	sadd.s32 $0x8F2B, s0  }
0xc3: {  	[sflag:s0] =	ssyncadd.remote.s32 $0x1  }
0xc4: {  	_ =	sfence.sel $0xFFFF  }
0xc5: {  	[dreg:$0x0] =	wrdreg $0xFFFFFFFF;
	(pc) =	sbr.abs _section_cstart, $3  }
0xc6: {  	[dreg:$0x1] =	wrdreg $0xFFFFFFFF  }
0xc7: {  	_ =	task.clear_ibuf [dreg:s7], $0x2FFFF;
	_ =	strace $0x9FFFFFFF  }
0xc8: {  	(tm) =	ssettm $0x7FFFFFFF  }
0xc9: {  	_ =	shalt  }
tec
execute0_lowered:
.L_overlay_start_1:
0x0: {  	(tag) =	ssettag $0x1  }
0x1: {  	s4 =	rddreg [dreg:$0x0];
	s1 =	srdreg.scid  }
0x2: {  	s0 =	stileid.u32;
	s5 =	rddreg [dreg:$0x1];
	s2 =	simm.s32 $0x0  }
0x3: {  	s12 =	simm.s32 $0x1;
	s13 =	simm.s32 $0x10200;
	s14 =	simm.s32 $0x0  }
0x4: {  	s6 =	sand.u32 $0x1, s1;
	s3 =	sshll.u32 s0, $0x1;
	[smem:$0x7FF] =	sst s2  }
0x5: {  	s1 =	rddreg [dreg:$0x2];
	s7 =	sor.u32 s6, s3;
	_ =	strace $0x80000047  }
0x6: {  	s3 =	sadd.s32 $0xA00, s4;
	s6 =	ssub.s32 $0x2, s6;
	s8 =	sshll.u32 s7, $0x6  }
0x7: {  	s9 =	sshll.u32 s7, $0xC;
	s7 =	sshll.u32 s7, $0x1;
	s31 =	sshrl.u32 s6, $0x1  }
0x8: {  	s8 =	sadd.s32 s8, s4;
	s10 =	sadd.s32 s9, s4;
	s7 =	sadd.s32 s7, s4  }
0x9: {  	s11 =	ssub.s32 s6, s31;
	s5 =	sadd.s32 s5, s9;
	s9 =	simm.s32 $0x2  }
0xa: {  	s4 =	sadd.s32 $0x10A00, s8;
	s6 =	sadd.s32 $0x11400, s10;
	s7 =	sadd.s32 $0x11200, s7  }
0xb: {  	s8 =	smax.u32 s11, $0x1;
	s10 =	simm.s32 $0x200;
	s11 =	simm.s32 $0x8200  }
.LBB2_1:
0xc: {  	[tilespmem:s2], [sflag:$0x2] =	stream.linear.gather [hbm4b:s4+s2], $0x200, $0x38;
	[tilespmem:$0x10210] =	vst v63  }
0xd: {  	_ =	swait.ge [sflag:s9], $0x200  }
0xe: {  	[sflag:s9] =	ssyncset.done $0x0  }
0xf: {  	[sflag:s9] =	ssyncadd.s32 $0xFFFFFE00  }
0x10: {  	[tilespmem:s10], [sflag:$0x1] =	stream.indirect.gather [hbm4b:s3+s10], $0x40, s2, s10, $0xb8;
	[tilespmem:$0x10210] =	vst v63  }
0x11: {  	_ = 	snop  }
0x12: {  	[tilespmem:s11], [sflag:$0x2] =	stream.linear.gather [hbm4b:s5+s2], $0x8000, $0x38;
	[tilespmem:$0x10210] =	vst v63  }
0x13: {  	_ =	swait.ge [sflag:s9], $0x8000  }
0x14: {  	[sflag:s9] =	ssyncset.done $0x0  }
0x15: {  	[sflag:s9] =	ssyncadd.s32 $0xFFFF8000  }
0x16: {  	_ =	swait.ge [sflag:s12], $0x8000  }
0x17: {  	[sflag:s12] =	ssyncset.done $0x0  }
0x18: {  	s16 =	simm.s32 $0x0;
	[sflag:s12] =	ssyncadd.s32 $0xFFFF8000  }
0x19: {  	v1 =	vld [tilespmem:s16+$0x8230]  }
0x1a: {  	v5 =	vld [tilespmem:s16+$0x8220]  }
0x1b: {  	v0 =	vld [tilespmem:s16+$0x230]  }
0x1c: {  	v6 =	vld [tilespmem:s16+$0x8210]  }
0x1d: {  	v3 =	vld [tilespmem:s16+$0x220]  }
0x1e: {  	v11 =	vld [tilespmem:s16+$0x8200]  }
0x1f: {  	v7 =	vld [tilespmem:s16+$0x210]  }
0x20: {  	v8 =	vld [tilespmem:s16+$0x200]  }
0x21: {  	v2 =	vsub.f32 v0, v1  }
0x22: {  	s15 =	simm.s32 $0x40;
	v3 =	vsub.f32 v3, v5  }
0x23: {  	v4 =	vld [tilespmem:s15+$0x8210];
	v9 =	vadd.f32 v2, v1  }
0x24: {  	v0 =	vld [tilespmem:s15+$0x8230];
	v7 =	vsub.f32 v7, v6;
	v10 =	vadd.f32 v3, v5  }
0x25: {  	v12 =	vsub.f32 v8, v11;
	v1 =	vld [tilespmem:s15+$0x8220];
	[tilespmem:s16+$0x230] =	vst v9  }
0x26: {  	v5 =	vld [tilespmem:s15+$0x230];
	[tilespmem:s16+$0x220] =	vst v10;
	v10 =	vadd.f32 v7, v6  }
0x27: {  	s17 =	simm.s32 $0x200;
	v8 =	vimm.f32 $0.0e+00;
	v11 =	vadd.f32 v12, v11;
	v9 =	vmul.f32 v12, v12;
	v6 =	vld [tilespmem:s15+$0x220]  }
.LBB2_2:
0x28: {  	p0 =	sne.s32 s17, $0x1FF00;
	v12 =	vld [tilespmem:s15+$0x8200];
	[tilespmem:s16+$0x210] =	vst v10;
	s18 =	smov.u32 s17;
	s17 =	sadd.s32 $0x100, s17  }
0x29: {  	v7 =	vmul.f32 v7, v7;
	v10 =	vld [tilespmem:s15+$0x210];
	v8 =	vadd.f32 v9, v8;
	[tilespmem:s16+$0x200] =	vst v11;
	s16 =	smov.u32 s15  }
0x2a: {  	v9 =	vld [tilespmem:s16+$0x200];
	v11 =	vmov v4  }
0x2b: {  	v4 =	vsub.f32 v5, v0;
	v5 =	vadd.f32 v7, v8;
	v7 =	vmul.f32 v3, v3  }
0x2c: {  	s15 =	sshra.s32 s18, $0x2;
	v3 =	vsub.f32 v6, v1  }
.Ltmp0:
0x2d: {  	v8 =	vmul.f32 v2, v2;
	v6 =	vadd.f32 v4, v0;
	v0 =	vld [tilespmem:s15+$0x8230];
	v5 =	vadd.f32 v7, v5;
	v2 =	vmovc v4;
	(pc) =	sbr.rel @p0 .LBB2_2-.Ltmp0, $4  }
0x2e: {  	v7 =	vsub.f32 v10, v11;
	v13 =	vadd.f32 v3, v1;
	v1 =	vld [tilespmem:s15+$0x8220]  }
0x2f: {  	v4 =	vld [tilespmem:s15+$0x8210];
	v14 =	vsub.f32 v9, v12;
	[tilespmem:s16+$0x230] =	vst v6;
	v8 =	vadd.f32 v8, v5  }
0x30: {  	v5 =	vld [tilespmem:s15+$0x230];
	v10 =	vadd.f32 v7, v11;
	[tilespmem:s16+$0x220] =	vst v13  }
0x31: {  	v6 =	vld [tilespmem:s15+$0x220];
	v9 =	vmul.f32 v14, v14;
	v11 =	vadd.f32 v14, v12  }
0x32: {  	v12 =	vld [tilespmem:s15+$0x8200];
	[tilespmem:s16+$0x210] =	vst v10  }
0x33: {  	v10 =	vld [tilespmem:s15+$0x210];
	[tilespmem:s16+$0x200] =	vst v11  }
0x34: {  	v11 =	vld [tilespmem:s15+$0x200]  }
0x35: {  	v7 =	vmul.f32 v7, v7;
	v8 =	vadd.f32 v9, v8;
	_ =	sdelay $0x1  }
0x36: {  	v3 =	vmul.f32 v3, v3;
	v7 =	vadd.f32 v7, v8;
	_ =	sdelay $0x1  }
0x37: {  	v2 =	vmul.f32 v2, v2;
	v3 =	vadd.f32 v3, v7;
	v55 =	vsub.f32 v11, v12;
	_ =	sdelay $0x1  }
0x38: {  	v56 =	vsub.f32 v10, v4;
	v2 =	vadd.f32 v2, v3;
	v57 =	vmul.f32 v55, v55  }
0x39: {  	v5 =	vsub.f32 v5, v0  }
0x3a: {  	v6 =	vsub.f32 v6, v1;
	v58 =	vmul.f32 v56, v56;
	v2 =	vadd.f32 v57, v2;
	_ =	sdelay $0x1  }
0x3b: {  	v0 =	vadd.f32 v5, v0;
	v59 =	vmul.f32 v6, v6;
	v2 =	vadd.f32 v58, v2  }
0x3c: {  	v1 =	vadd.f32 v6, v1  }
0x3d: {  	v61 =	vmul.f32 v5, v5;
	[tilespmem:s15+$0x230] =	vst v0;
	v60 =	vadd.f32 v56, v4;
	v2 =	vadd.f32 v59, v2  }
0x3e: {  	[tilespmem:s15+$0x220] =	vst v1;
	v62 =	vadd.f32 v55, v12  }
0x3f: {  	[tilespmem:s15+$0x210] =	vst v60;
	v63 =	vadd.f32 v61, v2  }
0x40: {  	[tilespmem:s15+$0x200] =	vst v62  }
0x41: {  	[tilespmem:$0x10200] =	vst v63  }
0x42: {  	[hbm4b:s6+s2] =	stream.linear.scatter [tilespmem:s10], [sflag:$0x2], $0x8000, $0x38;
	[tilespmem:$0x10210] =	vst v63  }
0x43: {  	s14 =	sadd.s32 $0x1, s14;
	_ =	swait.ge [sflag:s9], $0x8000  }
0x44: {  	p0 =	sne.s32 s14, s8;
	[sflag:s9] =	ssyncset.done $0x0  }
.Ltmp1:
0x45: {  	[sflag:s9] =	ssyncadd.s32 $0xFFFF8000;
	(pc) =	sbr.rel @p0 .LBB2_1-.Ltmp1, $4  }
0x46: {  	[hbm4b:s7+s2] =	stream.linear.scatter [tilespmem:s13], [sflag:$0x2], $0x10, $0x38;
	[tilespmem:$0x10210] =	vst v63  }
0x47: {  	_ =	swait.ge [sflag:s9], $0x10  }
0x48: {  	[sflag:s9] =	ssyncset.done $0x0  }
0x49: {  	[sflag:s9] =	ssyncadd.s32 $0xFFFFFFF0  }
0x4a: {  	_ =	sfence.sel $0x180000  }
0x4b: {  	[bflag:$0x0] =	sbarrier.arrive $0xFFFF  }
0x4c: {  	p0 =	sne.s32 s0, $0x0;
	_ =	strace $0x90000047  }
0x4d: {  	s0 =	sadd.s32 @!p0 $0x100000, s1;
	[bflag:$0x2] =	sbarrier.arrive $0xFFFF  }
0x4e: {  	[sflag:s0] =	ssyncadd.tile.s32 @!p0 $0x1;
	_ =	shalt  }
.Lfunc_end2:
_tile_overlayer_lowered:
.L_overlay_start_2:
0x4f: {  	(tag) =	ssettag $0x2  }
0x50: {  	s0 =	rddreg [dreg:$0x0];
	s2 =	stileid.u32  }
0x51: {  	s1 =	rddreg [dreg:$0x1];
	p0 =	sne.s32 s2, $0x0  }
0x52: {  	s3 =	rddreg [dreg:$0x2];
	[bflag:$0x3] =	sbarrier.arrive $0xFFFF;
	s2 =	simm.s32 @!p0 $0x1C02  }
0x53: {  	[timem:s3], [sflag:s2] =	dma.local @!p0 [hbm:s0], s1  }
0x54: {  	s0 =	simm.s32 @!p0 $0x2  }
0x55: {  	_ =	swait.ge @!p0 [sflag:s0], s1  }
0x56: {  	s1 =	ssub.s32 @!p0 $0x0, s1;
	[sflag:s0] =	ssyncset.done @!p0 $0x0  }
0x57: {  	[sflag:s0] =	ssyncadd.s32 @!p0 s1  }
0x58: {  	[bflag:$0x3] =	sbarrier.arrive $0xFFFF  }
0x59: {  	_ =	shalt  }

</sc_bundles>
